<compile_context>
chip_gen: v7x
topology: tpu7x:2x2x1
jax: 0.10.2.dev20260603
libtpu: 0.0.44.dev20260713+nightly
codegen_flags: <defaults>
</compile_context>

<pallas_src>
import functools

import jax
import jax.numpy as jnp
from jax import lax
from jax.experimental import pallas as pl
from jax.experimental.pallas import tpu as pltpu
from jax.experimental.pallas import tpu_sc as plsc

N, D_IN, H, L, K = 16384, 768, 512, 32, 8192
COMMITMENT_COST = 0.25

TN = 1024
TD = 2048
NB_DEC = N // TD

SC_CORES = 2
SC_SUBCORES = 16
NW = SC_CORES * SC_SUBCORES
IDX_CHUNK = 128


def _enc_vq_body(x_ref, w1_ref, b1_ref, w2_ref, b2_ref, cb_ref,
                 z_ref, idx_ref, csq_ref):
    cb = cb_ref[...]

    @pl.when(pl.program_id(0) == 0)
    def _csq():
        csq_ref[...] = lax.dot_general(
            jnp.ones((1, L), jnp.float32), cb * cb,
            (((1,), (1,)), ((), ())), preferred_element_type=jnp.float32,
        )

    x = x_ref[...]
    h = jnp.maximum(
        jnp.dot(x, w1_ref[...], preferred_element_type=jnp.float32) + b1_ref[...],
        0.0,
    )
    z = jnp.dot(h, w2_ref[...], preferred_element_type=jnp.float32) + b2_ref[...]
    zc = lax.dot_general(
        -2.0 * z, cb, (((1,), (1,)), ((), ())),
        preferred_element_type=jnp.float32,
    )
    scores = csq_ref[...] + zc
    ii = lax.broadcasted_iota(jnp.int32, (1, K), 1)
    comb = lax.bitcast_convert_type(
        jnp.bitwise_or(
            jnp.bitwise_and(lax.bitcast_convert_type(scores, jnp.int32),
                            jnp.int32(~0x1FFF)),
            ii,
        ),
        jnp.float32,
    )
    mnf = jnp.min(comb, axis=1, keepdims=True)
    idx = jnp.bitwise_and(
        lax.bitcast_convert_type(mnf, jnp.int32), jnp.int32(0x1FFF)
    )
    z_ref[...] = z
    idx_ref[...] = idx


def _encode_and_quantize(x, W1, b1, W2, b2, codebook):
    n = x.shape[0]
    return pl.pallas_call(
        _enc_vq_body,
        grid=(n // TN,),
        in_specs=[
            pl.BlockSpec((TN, D_IN), lambda i: (i, 0)),
            pl.BlockSpec((D_IN, H), lambda i: (0, 0)),
            pl.BlockSpec((1, H), lambda i: (0, 0)),
            pl.BlockSpec((H, L), lambda i: (0, 0)),
            pl.BlockSpec((1, L), lambda i: (0, 0)),
            pl.BlockSpec((K, L), lambda i: (0, 0)),
        ],
        out_specs=[
            pl.BlockSpec((TN, L), lambda i: (i, 0)),
            pl.BlockSpec((TN, 1), lambda i: (i, 0)),
        ],
        out_shape=[
            jax.ShapeDtypeStruct((n, L), jnp.float32),
            jax.ShapeDtypeStruct((n, 1), jnp.int32),
        ],
        scratch_shapes=[pltpu.VMEM((1, K), jnp.float32)],
    )(x, W1, b1.reshape(1, H), W2, b2.reshape(1, L), codebook)


def _make_sc_gather_body(b_per_w, n_chunks):
    def _sc_gather_body(table_hbm, idx_hbm, out_hbm, idx_v, rows_v, sem):
        wid = lax.axis_index("s") * SC_CORES + lax.axis_index("c")
        base = wid * b_per_w
        pltpu.sync_copy(idx_hbm.at[wid], idx_v)
        descs = [
            pltpu.async_copy(
                table_hbm.at[idx_v.at[j]],
                rows_v.at[pl.ds(j * IDX_CHUNK, IDX_CHUNK)],
                sem,
            )
            for j in range(n_chunks)
        ]
        for d in descs:
            d.wait()
        pltpu.sync_copy(rows_v, out_hbm.at[pl.ds(base, b_per_w)])

    return _sc_gather_body


def _sc_gather(table, idx):
    n = idx.shape[0]
    b_per_w = n // NW
    n_chunks = b_per_w // IDX_CHUNK
    call = functools.partial(
        pl.kernel,
        mesh=plsc.VectorSubcoreMesh(core_axis_name="c", subcore_axis_name="s"),
        out_type=jax.ShapeDtypeStruct((n, L), jnp.float32),
        scratch_types=[
            pltpu.VMEM((n_chunks, IDX_CHUNK), jnp.int32),
            pltpu.VMEM((b_per_w, L), jnp.float32),
            pltpu.SemaphoreType.DMA,
        ],
        compiler_params=pltpu.CompilerParams(use_tc_tiling_on_sc=False),
    )(_make_sc_gather_body(b_per_w, n_chunks))
    return call(table, idx.reshape(NW, n_chunks, IDX_CHUNK))


def _dec_body(zq_ref, z_ref, w3_ref, b3_ref, w4_ref, b4_ref,
              xr_ref, acc_ref):
    zq = zq_ref[...]
    z = z_ref[...]
    h2 = jnp.maximum(
        jnp.dot(zq.astype(jnp.bfloat16), w3_ref[...],
                preferred_element_type=jnp.float32) + b3_ref[...],
        0.0,
    )
    logits = jnp.dot(h2.astype(jnp.bfloat16), w4_ref[...],
                     preferred_element_type=jnp.float32) + b4_ref[...]
    xr_ref[...] = 1.0 / (1.0 + jnp.exp(-logits))
    d = zq - z
    part = jnp.sum(d * d).reshape(1, 1)

    @pl.when(pl.program_id(0) == 0)
    def _init():
        acc_ref[...] = jnp.zeros_like(acc_ref)

    acc_ref[...] += part


def _decode_and_loss(zq, z, W3, b3, W4, b4):
    return pl.pallas_call(
        _dec_body,
        grid=(NB_DEC,),
        in_specs=[
            pl.BlockSpec((TD, L), lambda i: (i, 0)),
            pl.BlockSpec((TD, L), lambda i: (i, 0)),
            pl.BlockSpec((L, H), lambda i: (0, 0)),
            pl.BlockSpec((1, H), lambda i: (0, 0)),
            pl.BlockSpec((H, D_IN), lambda i: (0, 0)),
            pl.BlockSpec((1, D_IN), lambda i: (0, 0)),
        ],
        out_specs=[
            pl.BlockSpec((TD, D_IN), lambda i: (i, 0)),
            pl.BlockSpec((1, 1), lambda i: (0, 0)),
        ],
        out_shape=[
            jax.ShapeDtypeStruct((N, D_IN), jnp.float32),
            jax.ShapeDtypeStruct((1, 1), jnp.float32),
        ],
    )(zq, z, W3.astype(jnp.bfloat16), b3.reshape(1, H),
      W4.astype(jnp.bfloat16), b4.reshape(1, D_IN))


def kernel(x, W1, b1, W2, b2, codebook, W3, b3, W4, b4):
    z, idx = _encode_and_quantize(x, W1, b1, W2, b2, codebook)
    zq = _sc_gather(codebook, idx)
    x_recon, acc = _decode_and_loss(zq, z, W3, b3, W4, b4)
    loss = ((1.0 + COMMITMENT_COST) / (N * L)) * acc[0, 0]
    return x_recon, loss

# --- scband reference (transcript-rebuilt; emitter-appended) ---
"""Pipeline reference for scband-vqvae-35476429865938 (READ-ONLY COPY).

The authoritative reference and input builder live on the scoring server;
editing this copy changes nothing except your own understanding.
"""

import jax, jax.numpy as jnp
import numpy as np

N, D_IN, H, L, K = 16384, 768, 512, 32, 8192
COMMITMENT_COST = 0.25


def setup_inputs(seed: int = 0) -> dict:
    key = jax.random.key(seed)
    ks = jax.random.split(key, 10)
    x = jax.random.uniform(ks[0], (N, D_IN), dtype=jnp.float32)
    W1 = jax.random.normal(ks[1], (D_IN, H), dtype=jnp.float32) * 0.02
    b1 = jnp.zeros((H,), jnp.float32)
    W2 = jax.random.normal(ks[2], (H, L), dtype=jnp.float32) * 0.02
    b2 = jnp.zeros((L,), jnp.float32)
    codebook = jax.random.uniform(ks[3], (K, L), dtype=jnp.float32, minval=-1.0 / K, maxval=1.0 / K)
    W3 = jax.random.normal(ks[4], (L, H), dtype=jnp.float32) * 0.02
    b3 = jnp.zeros((H,), jnp.float32)
    W4 = jax.random.normal(ks[5], (H, D_IN), dtype=jnp.float32) * 0.02
    b4 = jnp.zeros((D_IN,), jnp.float32)
    return {"x": x, "W1": W1, "b1": b1, "W2": W2, "b2": b2, "codebook": codebook, "W3": W3, "b3": b3, "W4": W4, "b4": b4}


def reference(x, W1, b1, W2, b2, codebook, W3, b3, W4, b4):
    # Encoder
    h = jnp.maximum(x @ W1 + b1, 0.0)
    z = h @ W2 + b2
    # Vector quantizer: nearest codebook entry by L2 distance
    z_flat = z.reshape(-1, L)
    distances = (
        jnp.sum(z_flat ** 2, axis=1, keepdims=True)
        + jnp.sum(codebook ** 2, axis=1)
        - 2.0 * z_flat @ codebook.T
    )
    encoding_indices = jnp.argmin(distances, axis=1)
    z_q = jnp.take(codebook, encoding_indices, axis=0).reshape(z.shape)
    vq_loss = jnp.mean((jax.lax.stop_gradient(z_q) - z) ** 2)
    commitment_loss = COMMITMENT_COST * jnp.mean((z_q - jax.lax.stop_gradient(z)) ** 2)
    # Straight-through estimator
    z_q_st = z + jax.lax.stop_gradient(z_q - z)
    # Decoder
    h2 = jnp.maximum(z_q_st @ W3 + b3, 0.0)
    x_recon = jax.nn.sigmoid(h2 @ W4 + b4)
    return x_recon, vq_loss + commitment_loss

if __name__ == "__main__":
    import jax
    _d = setup_inputs()
    print(jax.jit(kernel)(*tuple(_d.values())))

</pallas_src>

<mosaic_0001>
#map = affine_map<(d0, d1) -> (0, 0)>
#map1 = affine_map<(d0, d1) -> (0, 0, 0)>
module attributes {stable_mosaic.version = 14 : i64} {
  func.func @_sc_gather_body(%arg0: i32, %arg1: i32, %arg2: memref<8192x32xf32, #tpu.memory_space<hbm>>, %arg3: memref<32x4x128xi32, #tpu.memory_space<hbm>>, %arg4: memref<16384x32xf32, #tpu.memory_space<hbm>>, %arg5: memref<4x128xi32, #tpu.memory_space<vmem>>, %arg6: memref<512x32xf32, #tpu.memory_space<vmem>>, %arg7: memref<!tpu.dma_semaphore, #tpu.memory_space<semaphore_mem>>) attributes {dimension_semantics = [#tpu.dimension_semantics<core_parallel>, #tpu.dimension_semantics<subcore_parallel>], iteration_bounds = array<i64: 2, 16>, scalar_prefetch = 0 : i64, scratch_operands = 3 : i64, tpu.core_type = #tpu.core_type<sc_vector_subcore>, window_params = [{transform_indices = #map}, {transform_indices = #map1}, {transform_indices = #map}]} {
    %mul3A = arith.constant 2 : i32
    %mul3A_0 = arith.muli %arg1, %mul3A : i32
    %add3A = arith.addi %mul3A_0, %arg0 : i32
    %mul3A_1 = arith.constant 512 : i32
    %mul3A_2 = arith.muli %add3A, %mul3A_1 : i32
    "tpu.region"() ({
      %run_scoped3A = tpu.sem_alloc : memref<!tpu.dma_semaphore, #tpu.memory_space<semaphore_mem>>
      %dma_start3A_81 = arith.constant 0 : i32
      %dma_start3A_82 = arith.constant 0 : i32
      %dma_start3A_83 = tpu.memref_slice %arg3[%add3A, %dma_start3A_81, %dma_start3A_82] : memref<32x4x128xi32, #tpu.memory_space<hbm>> -> memref<1x4x128xi32, #tpu.memory_space<hbm>>
      %dma_start3A_84 = tpu.memref_squeeze %dma_start3A_83 : memref<1x4x128xi32, #tpu.memory_space<hbm>> -> memref<4x128xi32, #tpu.memory_space<hbm>>
      %dma_start3A_85 = arith.constant 0 : i32
      %dma_start3A_86 = arith.constant 0 : i32
      %dma_start3A_87 = tpu.memref_slice %arg3[%add3A, %dma_start3A_85, %dma_start3A_86] : memref<32x4x128xi32, #tpu.memory_space<hbm>> -> memref<1x4x128xi32, #tpu.memory_space<hbm>>
      %dma_start3A_88 = tpu.memref_squeeze %dma_start3A_87 : memref<1x4x128xi32, #tpu.memory_space<hbm>> -> memref<4x128xi32, #tpu.memory_space<hbm>>
      tpu.enqueue_dma source(%dma_start3A_88 : memref<4x128xi32, #tpu.memory_space<hbm>>) target(%arg5 : memref<4x128xi32, #tpu.memory_space<vmem>>) target_semaphore(%run_scoped3A : memref<!tpu.dma_semaphore, #tpu.memory_space<semaphore_mem>>)
      %dma_wait3A_89 = arith.constant 0 : i32
      %dma_wait3A_90 = arith.constant 0 : i32
      %dma_wait3A_91 = tpu.memref_slice %arg3[%add3A, %dma_wait3A_89, %dma_wait3A_90] : memref<32x4x128xi32, #tpu.memory_space<hbm>> -> memref<1x4x128xi32, #tpu.memory_space<hbm>>
      %dma_wait3A_92 = tpu.memref_squeeze %dma_wait3A_91 : memref<1x4x128xi32, #tpu.memory_space<hbm>> -> memref<4x128xi32, #tpu.memory_space<hbm>>
      %dma_wait3A_93 = arith.constant 0 : i32
      %dma_wait3A_94 = arith.constant 0 : i32
      %dma_wait3A_95 = tpu.memref_slice %arg3[%add3A, %dma_wait3A_93, %dma_wait3A_94] : memref<32x4x128xi32, #tpu.memory_space<hbm>> -> memref<1x4x128xi32, #tpu.memory_space<hbm>>
      %dma_wait3A_96 = tpu.memref_squeeze %dma_wait3A_95 : memref<1x4x128xi32, #tpu.memory_space<hbm>> -> memref<4x128xi32, #tpu.memory_space<hbm>>
      tpu.wait_dma2 semaphore(%run_scoped3A : memref<!tpu.dma_semaphore, #tpu.memory_space<semaphore_mem>>) src(%dma_wait3A_96 : memref<4x128xi32, #tpu.memory_space<hbm>>) dst(%arg5 : memref<4x128xi32, #tpu.memory_space<vmem>>)
      tpu.yield
    }) : () -> ()
    %dma_start3A = arith.constant 0 : i32
    %dma_start3A_3 = arith.constant 0 : i32
    %dma_start3A_4 = arith.constant 0 : i32
    %dma_start3A_5 = tpu.memref_slice %arg6[%dma_start3A_3, %dma_start3A_4] : memref<512x32xf32, #tpu.memory_space<vmem>> -> memref<128x32xf32, #tpu.memory_space<vmem>>
    %dma_start3A_6 = arith.constant 0 : i32
    %dma_start3A_7 = tpu.memref_slice %arg5[%dma_start3A, %dma_start3A_6] : memref<4x128xi32, #tpu.memory_space<vmem>> -> memref<1x128xi32, #tpu.memory_space<vmem>>
    %dma_start3A_8 = tpu.memref_squeeze %dma_start3A_7 : memref<1x128xi32, #tpu.memory_space<vmem>> -> memref<128xi32, #tpu.memory_space<vmem>>
    %dma_start3A_9 = arith.constant 0 : i32
    %dma_start3A_10 = arith.constant 0 : i32
    %dma_start3A_11 = tpu.memref_slice %arg2[%dma_start3A_9, %dma_start3A_10] : memref<8192x32xf32, #tpu.memory_space<hbm>> -> memref<8192x32xf32, #tpu.memory_space<hbm>>
    tpu.enqueue_indirect_dma source(%dma_start3A_11 : memref<8192x32xf32, #tpu.memory_space<hbm>>) target(%dma_start3A_5 : memref<128x32xf32, #tpu.memory_space<vmem>>) offsets(%dma_start3A_8 : memref<128xi32, #tpu.memory_space<vmem>>) semaphore(%arg7 : memref<!tpu.dma_semaphore, #tpu.memory_space<semaphore_mem>>)
    %dma_start3A_12 = arith.constant 1 : i32
    %dma_start3A_13 = arith.constant 128 : i32
    %dma_start3A_14 = arith.constant 0 : i32
    %dma_start3A_15 = tpu.memref_slice %arg6[%dma_start3A_13, %dma_start3A_14] : memref<512x32xf32, #tpu.memory_space<vmem>> -> memref<128x32xf32, #tpu.memory_space<vmem>>
    %dma_start3A_16 = arith.constant 0 : i32
    %dma_start3A_17 = tpu.memref_slice %arg5[%dma_start3A_12, %dma_start3A_16] : memref<4x128xi32, #tpu.memory_space<vmem>> -> memref<1x128xi32, #tpu.memory_space<vmem>>
    %dma_start3A_18 = tpu.memref_squeeze %dma_start3A_17 : memref<1x128xi32, #tpu.memory_space<vmem>> -> memref<128xi32, #tpu.memory_space<vmem>>
    %dma_start3A_19 = arith.constant 0 : i32
    %dma_start3A_20 = arith.constant 0 : i32
    %dma_start3A_21 = tpu.memref_slice %arg2[%dma_start3A_19, %dma_start3A_20] : memref<8192x32xf32, #tpu.memory_space<hbm>> -> memref<8192x32xf32, #tpu.memory_space<hbm>>
    tpu.enqueue_indirect_dma source(%dma_start3A_21 : memref<8192x32xf32, #tpu.memory_space<hbm>>) target(%dma_start3A_15 : memref<128x32xf32, #tpu.memory_space<vmem>>) offsets(%dma_start3A_18 : memref<128xi32, #tpu.memory_space<vmem>>) semaphore(%arg7 : memref<!tpu.dma_semaphore, #tpu.memory_space<semaphore_mem>>)
    %dma_start3A_22 = arith.constant 2 : i32
    %dma_start3A_23 = arith.constant 256 : i32
    %dma_start3A_24 = arith.constant 0 : i32
    %dma_start3A_25 = tpu.memref_slice %arg6[%dma_start3A_23, %dma_start3A_24] : memref<512x32xf32, #tpu.memory_space<vmem>> -> memref<128x32xf32, #tpu.memory_space<vmem>>
    %dma_start3A_26 = arith.constant 0 : i32
    %dma_start3A_27 = tpu.memref_slice %arg5[%dma_start3A_22, %dma_start3A_26] : memref<4x128xi32, #tpu.memory_space<vmem>> -> memref<1x128xi32, #tpu.memory_space<vmem>>
    %dma_start3A_28 = tpu.memref_squeeze %dma_start3A_27 : memref<1x128xi32, #tpu.memory_space<vmem>> -> memref<128xi32, #tpu.memory_space<vmem>>
    %dma_start3A_29 = arith.constant 0 : i32
    %dma_start3A_30 = arith.constant 0 : i32
    %dma_start3A_31 = tpu.memref_slice %arg2[%dma_start3A_29, %dma_start3A_30] : memref<8192x32xf32, #tpu.memory_space<hbm>> -> memref<8192x32xf32, #tpu.memory_space<hbm>>
    tpu.enqueue_indirect_dma source(%dma_start3A_31 : memref<8192x32xf32, #tpu.memory_space<hbm>>) target(%dma_start3A_25 : memref<128x32xf32, #tpu.memory_space<vmem>>) offsets(%dma_start3A_28 : memref<128xi32, #tpu.memory_space<vmem>>) semaphore(%arg7 : memref<!tpu.dma_semaphore, #tpu.memory_space<semaphore_mem>>)
    %dma_start3A_32 = arith.constant 3 : i32
    %dma_start3A_33 = arith.constant 384 : i32
    %dma_start3A_34 = arith.constant 0 : i32
    %dma_start3A_35 = tpu.memref_slice %arg6[%dma_start3A_33, %dma_start3A_34] : memref<512x32xf32, #tpu.memory_space<vmem>> -> memref<128x32xf32, #tpu.memory_space<vmem>>
    %dma_start3A_36 = arith.constant 0 : i32
    %dma_start3A_37 = tpu.memref_slice %arg5[%dma_start3A_32, %dma_start3A_36] : memref<4x128xi32, #tpu.memory_space<vmem>> -> memref<1x128xi32, #tpu.memory_space<vmem>>
    %dma_start3A_38 = tpu.memref_squeeze %dma_start3A_37 : memref<1x128xi32, #tpu.memory_space<vmem>> -> memref<128xi32, #tpu.memory_space<vmem>>
    %dma_start3A_39 = arith.constant 0 : i32
    %dma_start3A_40 = arith.constant 0 : i32
    %dma_start3A_41 = tpu.memref_slice %arg2[%dma_start3A_39, %dma_start3A_40] : memref<8192x32xf32, #tpu.memory_space<hbm>> -> memref<8192x32xf32, #tpu.memory_space<hbm>>
    tpu.enqueue_indirect_dma source(%dma_start3A_41 : memref<8192x32xf32, #tpu.memory_space<hbm>>) target(%dma_start3A_35 : memref<128x32xf32, #tpu.memory_space<vmem>>) offsets(%dma_start3A_38 : memref<128xi32, #tpu.memory_space<vmem>>) semaphore(%arg7 : memref<!tpu.dma_semaphore, #tpu.memory_space<semaphore_mem>>)
    %dma_wait3A = arith.constant 0 : i32
    %dma_wait3A_42 = arith.constant 0 : i32
    %dma_wait3A_43 = arith.constant 0 : i32
    %dma_wait3A_44 = tpu.memref_slice %arg6[%dma_wait3A_42, %dma_wait3A_43] : memref<512x32xf32, #tpu.memory_space<vmem>> -> memref<128x32xf32, #tpu.memory_space<vmem>>
    %dma_wait3A_45 = arith.constant 0 : i32
    %dma_wait3A_46 = tpu.memref_slice %arg5[%dma_wait3A, %dma_wait3A_45] : memref<4x128xi32, #tpu.memory_space<vmem>> -> memref<1x128xi32, #tpu.memory_space<vmem>>
    %dma_wait3A_47 = tpu.memref_squeeze %dma_wait3A_46 : memref<1x128xi32, #tpu.memory_space<vmem>> -> memref<128xi32, #tpu.memory_space<vmem>>
    %dma_wait3A_48 = arith.constant 0 : i32
    %dma_wait3A_49 = arith.constant 0 : i32
    %dma_wait3A_50 = tpu.memref_slice %arg2[%dma_wait3A_48, %dma_wait3A_49] : memref<8192x32xf32, #tpu.memory_space<hbm>> -> memref<8192x32xf32, #tpu.memory_space<hbm>>
    tpu.wait_indirect_dma semaphore(%arg7 : memref<!tpu.dma_semaphore, #tpu.memory_space<semaphore_mem>>) src(%dma_wait3A_50 : memref<8192x32xf32, #tpu.memory_space<hbm>>) dst(%dma_wait3A_44 : memref<128x32xf32, #tpu.memory_space<vmem>>)
    %dma_wait3A_51 = arith.constant 1 : i32
    %dma_wait3A_52 = arith.constant 128 : i32
    %dma_wait3A_53 = arith.constant 0 : i32
    %dma_wait3A_54 = tpu.memref_slice %arg6[%dma_wait3A_52, %dma_wait3A_53] : memref<512x32xf32, #tpu.memory_space<vmem>> -> memref<128x32xf32, #tpu.memory_space<vmem>>
    %dma_wait3A_55 = arith.constant 0 : i32
    %dma_wait3A_56 = tpu.memref_slice %arg5[%dma_wait3A_51, %dma_wait3A_55] : memref<4x128xi32, #tpu.memory_space<vmem>> -> memref<1x128xi32, #tpu.memory_space<vmem>>
    %dma_wait3A_57 = tpu.memref_squeeze %dma_wait3A_56 : memref<1x128xi32, #tpu.memory_space<vmem>> -> memref<128xi32, #tpu.memory_space<vmem>>
    %dma_wait3A_58 = arith.constant 0 : i32
    %dma_wait3A_59 = arith.constant 0 : i32
    %dma_wait3A_60 = tpu.memref_slice %arg2[%dma_wait3A_58, %dma_wait3A_59] : memref<8192x32xf32, #tpu.memory_space<hbm>> -> memref<8192x32xf32, #tpu.memory_space<hbm>>
    tpu.wait_indirect_dma semaphore(%arg7 : memref<!tpu.dma_semaphore, #tpu.memory_space<semaphore_mem>>) src(%dma_wait3A_60 : memref<8192x32xf32, #tpu.memory_space<hbm>>) dst(%dma_wait3A_54 : memref<128x32xf32, #tpu.memory_space<vmem>>)
    %dma_wait3A_61 = arith.constant 2 : i32
    %dma_wait3A_62 = arith.constant 256 : i32
    %dma_wait3A_63 = arith.constant 0 : i32
    %dma_wait3A_64 = tpu.memref_slice %arg6[%dma_wait3A_62, %dma_wait3A_63] : memref<512x32xf32, #tpu.memory_space<vmem>> -> memref<128x32xf32, #tpu.memory_space<vmem>>
    %dma_wait3A_65 = arith.constant 0 : i32
    %dma_wait3A_66 = tpu.memref_slice %arg5[%dma_wait3A_61, %dma_wait3A_65] : memref<4x128xi32, #tpu.memory_space<vmem>> -> memref<1x128xi32, #tpu.memory_space<vmem>>
    %dma_wait3A_67 = tpu.memref_squeeze %dma_wait3A_66 : memref<1x128xi32, #tpu.memory_space<vmem>> -> memref<128xi32, #tpu.memory_space<vmem>>
    %dma_wait3A_68 = arith.constant 0 : i32
    %dma_wait3A_69 = arith.constant 0 : i32
    %dma_wait3A_70 = tpu.memref_slice %arg2[%dma_wait3A_68, %dma_wait3A_69] : memref<8192x32xf32, #tpu.memory_space<hbm>> -> memref<8192x32xf32, #tpu.memory_space<hbm>>
    tpu.wait_indirect_dma semaphore(%arg7 : memref<!tpu.dma_semaphore, #tpu.memory_space<semaphore_mem>>) src(%dma_wait3A_70 : memref<8192x32xf32, #tpu.memory_space<hbm>>) dst(%dma_wait3A_64 : memref<128x32xf32, #tpu.memory_space<vmem>>)
    %dma_wait3A_71 = arith.constant 3 : i32
    %dma_wait3A_72 = arith.constant 384 : i32
    %dma_wait3A_73 = arith.constant 0 : i32
    %dma_wait3A_74 = tpu.memref_slice %arg6[%dma_wait3A_72, %dma_wait3A_73] : memref<512x32xf32, #tpu.memory_space<vmem>> -> memref<128x32xf32, #tpu.memory_space<vmem>>
    %dma_wait3A_75 = arith.constant 0 : i32
    %dma_wait3A_76 = tpu.memref_slice %arg5[%dma_wait3A_71, %dma_wait3A_75] : memref<4x128xi32, #tpu.memory_space<vmem>> -> memref<1x128xi32, #tpu.memory_space<vmem>>
    %dma_wait3A_77 = tpu.memref_squeeze %dma_wait3A_76 : memref<1x128xi32, #tpu.memory_space<vmem>> -> memref<128xi32, #tpu.memory_space<vmem>>
    %dma_wait3A_78 = arith.constant 0 : i32
    %dma_wait3A_79 = arith.constant 0 : i32
    %dma_wait3A_80 = tpu.memref_slice %arg2[%dma_wait3A_78, %dma_wait3A_79] : memref<8192x32xf32, #tpu.memory_space<hbm>> -> memref<8192x32xf32, #tpu.memory_space<hbm>>
    tpu.wait_indirect_dma semaphore(%arg7 : memref<!tpu.dma_semaphore, #tpu.memory_space<semaphore_mem>>) src(%dma_wait3A_80 : memref<8192x32xf32, #tpu.memory_space<hbm>>) dst(%dma_wait3A_74 : memref<128x32xf32, #tpu.memory_space<vmem>>)
    "tpu.region"() ({
      %run_scoped3A = tpu.sem_alloc : memref<!tpu.dma_semaphore, #tpu.memory_space<semaphore_mem>>
      %dma_start3A_81 = arith.constant 0 : i32
      %dma_start3A_82 = tpu.memref_slice %arg4[%mul3A_2, %dma_start3A_81] : memref<16384x32xf32, #tpu.memory_space<hbm>> -> memref<512x32xf32, #tpu.memory_space<hbm>>
      %dma_start3A_83 = arith.constant 0 : i32
      %dma_start3A_84 = tpu.memref_slice %arg4[%mul3A_2, %dma_start3A_83] : memref<16384x32xf32, #tpu.memory_space<hbm>> -> memref<512x32xf32, #tpu.memory_space<hbm>>
      tpu.enqueue_dma source(%arg6 : memref<512x32xf32, #tpu.memory_space<vmem>>) target(%dma_start3A_84 : memref<512x32xf32, #tpu.memory_space<hbm>>) target_semaphore(%run_scoped3A : memref<!tpu.dma_semaphore, #tpu.memory_space<semaphore_mem>>)
      %dma_wait3A_85 = arith.constant 0 : i32
      %dma_wait3A_86 = tpu.memref_slice %arg4[%mul3A_2, %dma_wait3A_85] : memref<16384x32xf32, #tpu.memory_space<hbm>> -> memref<512x32xf32, #tpu.memory_space<hbm>>
      %dma_wait3A_87 = arith.constant 0 : i32
      %dma_wait3A_88 = tpu.memref_slice %arg4[%mul3A_2, %dma_wait3A_87] : memref<16384x32xf32, #tpu.memory_space<hbm>> -> memref<512x32xf32, #tpu.memory_space<hbm>>
      tpu.wait_dma2 semaphore(%run_scoped3A : memref<!tpu.dma_semaphore, #tpu.memory_space<semaphore_mem>>) src(%arg6 : memref<512x32xf32, #tpu.memory_space<vmem>>) dst(%dma_wait3A_88 : memref<512x32xf32, #tpu.memory_space<hbm>>)
      tpu.yield
    }) : () -> ()
    return
  }
}

module attributes {stable_mosaic.version = 14 : i64} {
  func.func @_enc_vq_body(%arg0: i32, %arg1: memref<1024x768xf32, #tpu.memory_space<vmem>>, %arg2: memref<768x512xf32, #tpu.memory_space<vmem>>, %arg3: memref<1x512xf32, #tpu.memory_space<vmem>>, %arg4: memref<512x32xf32, #tpu.memory_space<vmem>>, %arg5: memref<1x32xf32, #tpu.memory_space<vmem>>, %arg6: memref<8192x32xf32, #tpu.memory_space<vmem>>, %arg7: memref<1024x32xf32, #tpu.memory_space<vmem>>, %arg8: memref<1024x1xi32, #tpu.memory_space<vmem>>, %arg9: memref<1x8192xf32, #tpu.memory_space<vmem>>) attributes {dimension_semantics = [#tpu.dimension_semantics<arbitrary>], iteration_bounds = array<i64: 16>, scalar_prefetch = 0 : i64, scratch_operands = 1 : i64, tpu.core_type = #tpu.core_type<tc>, window_params = [{transform_indices = @transform_0, window_bounds = array<i64: 1024, 768>}, {pipeline_mode = #tpu.pipeline_mode<synchronous>, transform_indices = @transform_1, window_bounds = array<i64: 768, 512>}, {pipeline_mode = #tpu.pipeline_mode<synchronous>, transform_indices = @transform_2, window_bounds = array<i64: 1, 512>}, {pipeline_mode = #tpu.pipeline_mode<synchronous>, transform_indices = @transform_3, window_bounds = array<i64: 512, 32>}, {pipeline_mode = #tpu.pipeline_mode<synchronous>, transform_indices = @transform_4, window_bounds = array<i64: 1, 32>}, {pipeline_mode = #tpu.pipeline_mode<synchronous>, transform_indices = @transform_5, window_bounds = array<i64: 8192, 32>}, {transform_indices = @transform_6, window_bounds = array<i64: 1024, 32>}, {transform_indices = @transform_7, window_bounds = array<i64: 1024, 1>}]} {
    %get3A = arith.constant 0 : index
    %get3A_0 = arith.constant 0 : index
    %get3A_1 = vector.load %arg6[%get3A, %get3A_0] : memref<8192x32xf32, #tpu.memory_space<vmem>>, vector<8192x32xf32>
    %eq3A = arith.constant 0 : i32
    %eq3A_2 = arith.cmpi eq, %arg0, %eq3A : i32
    %convert_element_type3A = arith.extui %eq3A_2 : i1 to i32
    %cond3A = arith.constant 0 : i32
    %cond3A_3 = arith.cmpi ne, %convert_element_type3A, %cond3A : i32
    scf.if %cond3A_3 {
      %broadcast_in_dim3A_50 = arith.constant 1.000000e+00 : f32
      %broadcast_in_dim3A_51 = vector.broadcast %broadcast_in_dim3A_50 : f32 to vector<1x32xf32>
      %mul3A_52 = arith.mulf %get3A_1, %get3A_1 : vector<8192x32xf32>
      %dot_general3A_53 = arith.constant dense<0.000000e+00> : vector<1x8192xf32>
      %dot_general3A_54 = tpu.matmul %broadcast_in_dim3A_51, %mul3A_52, %dot_general3A_53 {dimension_numbers = #tpu.dot_dimension_numbers<[1], [1], [0], [0], [0, 0, 1, 0], [], []>, transpose_lhs_hint = false} : vector<1x32xf32>, vector<8192x32xf32>, vector<1x8192xf32> -> vector<1x8192xf32>
      %swap3A_55 = arith.constant 0 : index
      %swap3A_56 = arith.constant 0 : index
      %swap3A_57 = vector.load %arg9[%swap3A_55, %swap3A_56] : memref<1x8192xf32, #tpu.memory_space<vmem>>, vector<1x8192xf32>
      tpu.vector_store %arg9[%swap3A_55, %swap3A_56], %dot_general3A_54 {strides = array<i32>} : memref<1x8192xf32, #tpu.memory_space<vmem>>, vector<1x8192xf32>,
    } else {
    }
    %get3A_4 = arith.constant 0 : index
    %get3A_5 = arith.constant 0 : index
    %get3A_6 = vector.load %arg1[%get3A_4, %get3A_5] : memref<1024x768xf32, #tpu.memory_space<vmem>>, vector<1024x768xf32>
    %get3A_7 = arith.constant 0 : index
    %get3A_8 = arith.constant 0 : index
    %get3A_9 = vector.load %arg2[%get3A_7, %get3A_8] : memref<768x512xf32, #tpu.memory_space<vmem>>, vector<768x512xf32>
    %dot_general3A = arith.constant dense<0.000000e+00> : vector<1024x512xf32>
    %dot_general3A_10 = tpu.matmul %get3A_6, %get3A_9, %dot_general3A {dimension_numbers = #tpu.dot_dimension_numbers<[1], [0], [0], [1], [0, 0, 1, 1], [], []>, transpose_lhs_hint = false} : vector<1024x768xf32>, vector<768x512xf32>, vector<1024x512xf32> -> vector<1024x512xf32>
    %get3A_11 = arith.constant 0 : index
    %get3A_12 = arith.constant 0 : index
    %get3A_13 = vector.load %arg3[%get3A_11, %get3A_12] : memref<1x512xf32, #tpu.memory_space<vmem>>, vector<1x512xf32>
    %add3A = vector.broadcast %get3A_13 : vector<1x512xf32> to vector<1024x512xf32>
    %add3A_14 = arith.addf %dot_general3A_10, %add3A : vector<1024x512xf32>
    %max3A = arith.constant 0.000000e+00 : f32
    %max3A_15 = vector.broadcast %max3A : f32 to vector<1024x512xf32>
    %max3A_16 = arith.maximumf %add3A_14, %max3A_15 : vector<1024x512xf32>
    %get3A_17 = arith.constant 0 : index
    %get3A_18 = arith.constant 0 : index
    %get3A_19 = vector.load %arg4[%get3A_17, %get3A_18] : memref<512x32xf32, #tpu.memory_space<vmem>>, vector<512x32xf32>
    %dot_general3A_20 = arith.constant dense<0.000000e+00> : vector<1024x32xf32>
    %dot_general3A_21 = tpu.matmul %max3A_16, %get3A_19, %dot_general3A_20 {dimension_numbers = #tpu.dot_dimension_numbers<[1], [0], [0], [1], [0, 0, 1, 1], [], []>, transpose_lhs_hint = false} : vector<1024x512xf32>, vector<512x32xf32>, vector<1024x32xf32> -> vector<1024x32xf32>
    %get3A_22 = arith.constant 0 : index
    %get3A_23 = arith.constant 0 : index
    %get3A_24 = vector.load %arg5[%get3A_22, %get3A_23] : memref<1x32xf32, #tpu.memory_space<vmem>>, vector<1x32xf32>
    %add3A_25 = vector.broadcast %get3A_24 : vector<1x32xf32> to vector<1024x32xf32>
    %add3A_26 = arith.addf %dot_general3A_21, %add3A_25 : vector<1024x32xf32>
    %mul3A = arith.constant -2.000000e+00 : f32
    %mul3A_27 = vector.broadcast %mul3A : f32 to vector<1024x32xf32>
    %mul3A_28 = arith.mulf %mul3A_27, %add3A_26 : vector<1024x32xf32>
    %dot_general3A_29 = arith.constant dense<0.000000e+00> : vector<1024x8192xf32>
    %dot_general3A_30 = tpu.matmul %mul3A_28, %get3A_1, %dot_general3A_29 {dimension_numbers = #tpu.dot_dimension_numbers<[1], [1], [0], [0], [0, 0, 1, 0], [], []>, transpose_lhs_hint = false} : vector<1024x32xf32>, vector<8192x32xf32>, vector<1024x8192xf32> -> vector<1024x8192xf32>
    %get3A_31 = arith.constant 0 : index
    %get3A_32 = arith.constant 0 : index
    %get3A_33 = vector.load %arg9[%get3A_31, %get3A_32] : memref<1x8192xf32, #tpu.memory_space<vmem>>, vector<1x8192xf32>
    %add3A_34 = vector.broadcast %get3A_33 : vector<1x8192xf32> to vector<1024x8192xf32>
    %add3A_35 = arith.addf %add3A_34, %dot_general3A_30 : vector<1024x8192xf32>
    %iota3A = tpu.iota {dimensions = array<i32: 1>} : vector<1x8192xi32>
    %bitcast_convert_type3A = tpu.bitcast %add3A_35 : vector<1024x8192xf32> -> vector<1024x8192xi32>
    %and3A = arith.constant -8192 : i32
    %and3A_36 = vector.broadcast %and3A : i32 to vector<1024x8192xi32>
    %and3A_37 = arith.andi %bitcast_convert_type3A, %and3A_36 : vector<1024x8192xi32>
    %or3A = vector.broadcast %iota3A : vector<1x8192xi32> to vector<1024x8192xi32>
    %or3A_38 = arith.ori %and3A_37, %or3A : vector<1024x8192xi32>
    %bitcast_convert_type3A_39 = tpu.bitcast %or3A_38 : vector<1024x8192xi32> -> vector<1024x8192xf32>
    %reduce_min3A = arith.constant dense<0x7F800000> : vector<1024xf32>
    %reduce_min3A_40 = vector.multi_reduction <minimumf>, %bitcast_convert_type3A_39, %reduce_min3A [1] : vector<1024x8192xf32> to vector<1024xf32>
    %broadcast_in_dim3A = vector.shape_cast %reduce_min3A_40 : vector<1024xf32> to vector<1024x1xf32>
    %bitcast_convert_type3A_41 = tpu.bitcast %broadcast_in_dim3A : vector<1024x1xf32> -> vector<1024x1xi32>
    %and3A_42 = arith.constant 8191 : i32
    %and3A_43 = vector.broadcast %and3A_42 : i32 to vector<1024x1xi32>
    %and3A_44 = arith.andi %bitcast_convert_type3A_41, %and3A_43 : vector<1024x1xi32>
    %swap3A = arith.constant 0 : index
    %swap3A_45 = arith.constant 0 : index
    %swap3A_46 = vector.load %arg7[%swap3A, %swap3A_45] : memref<1024x32xf32, #tpu.memory_space<vmem>>, vector<1024x32xf32>
    tpu.vector_store %arg7[%swap3A, %swap3A_45], %add3A_26 {strides = array<i32>} : memref<1024x32xf32, #tpu.memory_space<vmem>>, vector<1024x32xf32>,
    %swap3A_47 = arith.constant 0 : index
    %swap3A_48 = arith.constant 0 : index
    %swap3A_49 = vector.load %arg8[%swap3A_47, %swap3A_48] : memref<1024x1xi32, #tpu.memory_space<vmem>>, vector<1024x1xi32>
    tpu.vector_store %arg8[%swap3A_47, %swap3A_48], %and3A_44 {strides = array<i32>} : memref<1024x1xi32, #tpu.memory_space<vmem>>, vector<1024x1xi32>,
    return
  }
  func.func @transform_0(%arg0: i32) -> (i32, i32) {
    %c0_i32 = arith.constant 0 : i32
    %c0_i32_0 = arith.constant 0 : i32
    return %arg0, %c0_i32 : i32, i32
  }
  func.func @transform_1(%arg0: i32) -> (i32, i32) {
    %c0_i32 = arith.constant 0 : i32
    %c0_i32_0 = arith.constant 0 : i32
    %c0_i32_1 = arith.constant 0 : i32
    return %c0_i32, %c0_i32_0 : i32, i32
  }
  func.func @transform_2(%arg0: i32) -> (i32, i32) {
    %c0_i32 = arith.constant 0 : i32
    %c0_i32_0 = arith.constant 0 : i32
    %c0_i32_1 = arith.constant 0 : i32
    return %c0_i32, %c0_i32_0 : i32, i32
  }
  func.func @transform_3(%arg0: i32) -> (i32, i32) {
    %c0_i32 = arith.constant 0 : i32
    %c0_i32_0 = arith.constant 0 : i32
    %c0_i32_1 = arith.constant 0 : i32
    return %c0_i32, %c0_i32_0 : i32, i32
  }
  func.func @transform_4(%arg0: i32) -> (i32, i32) {
    %c0_i32 = arith.constant 0 : i32
    %c0_i32_0 = arith.constant 0 : i32
    %c0_i32_1 = arith.constant 0 : i32
    return %c0_i32, %c0_i32_0 : i32, i32
  }
  func.func @transform_5(%arg0: i32) -> (i32, i32) {
    %c0_i32 = arith.constant 0 : i32
    %c0_i32_0 = arith.constant 0 : i32
    %c0_i32_1 = arith.constant 0 : i32
    return %c0_i32, %c0_i32_0 : i32, i32
  }
  func.func @transform_6(%arg0: i32) -> (i32, i32) {
    %c0_i32 = arith.constant 0 : i32
    %c0_i32_0 = arith.constant 0 : i32
    return %arg0, %c0_i32 : i32, i32
  }
  func.func @transform_7(%arg0: i32) -> (i32, i32) {
    %c0_i32 = arith.constant 0 : i32
    %c0_i32_0 = arith.constant 0 : i32
    return %arg0, %c0_i32 : i32, i32
  }
}

module attributes {stable_mosaic.version = 14 : i64} {
  func.func @_dec_body(%arg0: i32, %arg1: memref<2048x32xf32, #tpu.memory_space<vmem>>, %arg2: memref<2048x32xf32, #tpu.memory_space<vmem>>, %arg3: memref<32x512xbf16, #tpu.memory_space<vmem>>, %arg4: memref<1x512xf32, #tpu.memory_space<vmem>>, %arg5: memref<512x768xbf16, #tpu.memory_space<vmem>>, %arg6: memref<1x768xf32, #tpu.memory_space<vmem>>, %arg7: memref<2048x768xf32, #tpu.memory_space<vmem>>, %arg8: memref<1x1xf32, #tpu.memory_space<vmem>>) attributes {dimension_semantics = [#tpu.dimension_semantics<arbitrary>], iteration_bounds = array<i64: 8>, scalar_prefetch = 0 : i64, scratch_operands = 0 : i64, tpu.core_type = #tpu.core_type<tc>, window_params = [{transform_indices = @transform_0, window_bounds = array<i64: 2048, 32>}, {transform_indices = @transform_1, window_bounds = array<i64: 2048, 32>}, {pipeline_mode = #tpu.pipeline_mode<synchronous>, transform_indices = @transform_2, window_bounds = array<i64: 32, 512>}, {pipeline_mode = #tpu.pipeline_mode<synchronous>, transform_indices = @transform_3, window_bounds = array<i64: 1, 512>}, {pipeline_mode = #tpu.pipeline_mode<synchronous>, transform_indices = @transform_4, window_bounds = array<i64: 512, 768>}, {pipeline_mode = #tpu.pipeline_mode<synchronous>, transform_indices = @transform_5, window_bounds = array<i64: 1, 768>}, {transform_indices = @transform_6, window_bounds = array<i64: 2048, 768>}, {pipeline_mode = #tpu.pipeline_mode<synchronous>, transform_indices = @transform_7, window_bounds = array<i64: 1, 1>}]} {
    %get3A = arith.constant 0 : index
    %get3A_0 = arith.constant 0 : index
    %get3A_1 = vector.load %arg1[%get3A, %get3A_0] : memref<2048x32xf32, #tpu.memory_space<vmem>>, vector<2048x32xf32>
    %get3A_2 = arith.constant 0 : index
    %get3A_3 = arith.constant 0 : index
    %get3A_4 = vector.load %arg2[%get3A_2, %get3A_3] : memref<2048x32xf32, #tpu.memory_space<vmem>>, vector<2048x32xf32>
    %convert_element_type3A = arith.truncf %get3A_1 : vector<2048x32xf32> to vector<2048x32xbf16>
    %get3A_5 = arith.constant 0 : index
    %get3A_6 = arith.constant 0 : index
    %get3A_7 = vector.load %arg3[%get3A_5, %get3A_6] : memref<32x512xbf16, #tpu.memory_space<vmem>>, vector<32x512xbf16>
    %dot_general3A = arith.constant dense<0.000000e+00> : vector<2048x512xf32>
    %dot_general3A_8 = tpu.matmul %convert_element_type3A, %get3A_7, %dot_general3A {dimension_numbers = #tpu.dot_dimension_numbers<[1], [0], [0], [1], [0, 0, 1, 1], [], []>, transpose_lhs_hint = false} : vector<2048x32xbf16>, vector<32x512xbf16>, vector<2048x512xf32> -> vector<2048x512xf32>
    %get3A_9 = arith.constant 0 : index
    %get3A_10 = arith.constant 0 : index
    %get3A_11 = vector.load %arg4[%get3A_9, %get3A_10] : memref<1x512xf32, #tpu.memory_space<vmem>>, vector<1x512xf32>
    %add3A = vector.broadcast %get3A_11 : vector<1x512xf32> to vector<2048x512xf32>
    %add3A_12 = arith.addf %dot_general3A_8, %add3A : vector<2048x512xf32>
    %max3A = arith.constant 0.000000e+00 : f32
    %max3A_13 = vector.broadcast %max3A : f32 to vector<2048x512xf32>
    %max3A_14 = arith.maximumf %add3A_12, %max3A_13 : vector<2048x512xf32>
    %convert_element_type3A_15 = arith.truncf %max3A_14 : vector<2048x512xf32> to vector<2048x512xbf16>
    %get3A_16 = arith.constant 0 : index
    %get3A_17 = arith.constant 0 : index
    %get3A_18 = vector.load %arg5[%get3A_16, %get3A_17] : memref<512x768xbf16, #tpu.memory_space<vmem>>, vector<512x768xbf16>
    %dot_general3A_19 = arith.constant dense<0.000000e+00> : vector<2048x768xf32>
    %dot_general3A_20 = tpu.matmul %convert_element_type3A_15, %get3A_18, %dot_general3A_19 {dimension_numbers = #tpu.dot_dimension_numbers<[1], [0], [0], [1], [0, 0, 1, 1], [], []>, transpose_lhs_hint = false} : vector<2048x512xbf16>, vector<512x768xbf16>, vector<2048x768xf32> -> vector<2048x768xf32>
    %get3A_21 = arith.constant 0 : index
    %get3A_22 = arith.constant 0 : index
    %get3A_23 = vector.load %arg6[%get3A_21, %get3A_22] : memref<1x768xf32, #tpu.memory_space<vmem>>, vector<1x768xf32>
    %add3A_24 = vector.broadcast %get3A_23 : vector<1x768xf32> to vector<2048x768xf32>
    %add3A_25 = arith.addf %dot_general3A_20, %add3A_24 : vector<2048x768xf32>
    %neg3A = arith.constant 0.000000e+00 : f32
    %neg3A_26 = vector.broadcast %neg3A : f32 to vector<2048x768xf32>
    %neg3A_27 = arith.subf %neg3A_26, %add3A_25 : vector<2048x768xf32>
    %exp3A = math.exp %neg3A_27 : vector<2048x768xf32>
    %add3A_28 = arith.constant 1.000000e+00 : f32
    %add3A_29 = vector.broadcast %add3A_28 : f32 to vector<2048x768xf32>
    %add3A_30 = arith.addf %add3A_29, %exp3A : vector<2048x768xf32>
    %div3A = arith.constant 1.000000e+00 : f32
    %div3A_31 = vector.broadcast %div3A : f32 to vector<2048x768xf32>
    %div3A_32 = arith.divf %div3A_31, %add3A_30 : vector<2048x768xf32>
    %swap3A = arith.constant 0 : index
    %swap3A_33 = arith.constant 0 : index
    %swap3A_34 = vector.load %arg7[%swap3A, %swap3A_33] : memref<2048x768xf32, #tpu.memory_space<vmem>>, vector<2048x768xf32>
    tpu.vector_store %arg7[%swap3A, %swap3A_33], %div3A_32 {strides = array<i32>} : memref<2048x768xf32, #tpu.memory_space<vmem>>, vector<2048x768xf32>,
    %sub3A = arith.subf %get3A_1, %get3A_4 : vector<2048x32xf32>
    %mul3A = arith.mulf %sub3A, %sub3A : vector<2048x32xf32>
    %reduce_sum3A = vector.shape_cast %mul3A : vector<2048x32xf32> to vector<1x2048x32xf32>
    %reduce_sum3A_35 = arith.constant dense<0.000000e+00> : vector<1xf32>
    %reduce_sum3A_36 = vector.multi_reduction <add>, %reduce_sum3A, %reduce_sum3A_35 [1, 2] : vector<1x2048x32xf32> to vector<1xf32>
    %reduce_sum3A_37 = vector.shape_cast %reduce_sum3A_36 : vector<1xf32> to vector<1x1x1xf32>
    %reduce_sum3A_38 = vector.extract %reduce_sum3A_37[0, 0, 0] : f32 from vector<1x1x1xf32>
    %reshape3A = vector.broadcast %reduce_sum3A_38 : f32 to vector<1x1xf32>
    %eq3A = arith.constant 0 : i32
    %eq3A_39 = arith.cmpi eq, %arg0, %eq3A : i32
    %convert_element_type3A_40 = arith.extui %eq3A_39 : i1 to i32
    %cond3A = arith.constant 0 : i32
    %cond3A_41 = arith.cmpi ne, %convert_element_type3A_40, %cond3A : i32
    scf.if %cond3A_41 {
      %broadcast_in_dim3A = arith.constant 0.000000e+00 : f32
      %broadcast_in_dim3A_49 = vector.broadcast %broadcast_in_dim3A : f32 to vector<1x1xf32>
      %swap3A_50 = arith.constant 0 : index
      %swap3A_51 = arith.constant 0 : index
      %swap3A_52 = vector.load %arg8[%swap3A_50, %swap3A_51] : memref<1x1xf32, #tpu.memory_space<vmem>>, vector<1x1xf32>
      tpu.vector_store %arg8[%swap3A_50, %swap3A_51], %broadcast_in_dim3A_49 {strides = array<i32>} : memref<1x1xf32, #tpu.memory_space<vmem>>, vector<1x1xf32>,
    } else {
    }
    %get3A_42 = arith.constant 0 : index
    %get3A_43 = arith.constant 0 : index
    %get3A_44 = vector.load %arg8[%get3A_42, %get3A_43] : memref<1x1xf32, #tpu.memory_space<vmem>>, vector<1x1xf32>
    %add3A_45 = arith.addf %get3A_44, %reshape3A : vector<1x1xf32>
    %swap3A_46 = arith.constant 0 : index
    %swap3A_47 = arith.constant 0 : index
    %swap3A_48 = vector.load %arg8[%swap3A_46, %swap3A_47] : memref<1x1xf32, #tpu.memory_space<vmem>>, vector<1x1xf32>
    tpu.vector_store %arg8[%swap3A_46, %swap3A_47], %add3A_45 {strides = array<i32>} : memref<1x1xf32, #tpu.memory_space<vmem>>, vector<1x1xf32>,
    return
  }
  func.func @transform_0(%arg0: i32) -> (i32, i32) {
    %c0_i32 = arith.constant 0 : i32
    %c0_i32_0 = arith.constant 0 : i32
    return %arg0, %c0_i32 : i32, i32
  }
  func.func @transform_1(%arg0: i32) -> (i32, i32) {
    %c0_i32 = arith.constant 0 : i32
    %c0_i32_0 = arith.constant 0 : i32
    return %arg0, %c0_i32 : i32, i32
  }
  func.func @transform_2(%arg0: i32) -> (i32, i32) {
    %c0_i32 = arith.constant 0 : i32
    %c0_i32_0 = arith.constant 0 : i32
    %c0_i32_1 = arith.constant 0 : i32
    return %c0_i32, %c0_i32_0 : i32, i32
  }
  func.func @transform_3(%arg0: i32) -> (i32, i32) {
    %c0_i32 = arith.constant 0 : i32
    %c0_i32_0 = arith.constant 0 : i32
    %c0_i32_1 = arith.constant 0 : i32
    return %c0_i32, %c0_i32_0 : i32, i32
  }
  func.func @transform_4(%arg0: i32) -> (i32, i32) {
    %c0_i32 = arith.constant 0 : i32
    %c0_i32_0 = arith.constant 0 : i32
    %c0_i32_1 = arith.constant 0 : i32
    return %c0_i32, %c0_i32_0 : i32, i32
  }
  func.func @transform_5(%arg0: i32) -> (i32, i32) {
    %c0_i32 = arith.constant 0 : i32
    %c0_i32_0 = arith.constant 0 : i32
    %c0_i32_1 = arith.constant 0 : i32
    return %c0_i32, %c0_i32_0 : i32, i32
  }
  func.func @transform_6(%arg0: i32) -> (i32, i32) {
    %c0_i32 = arith.constant 0 : i32
    %c0_i32_0 = arith.constant 0 : i32
    return %arg0, %c0_i32 : i32, i32
  }
  func.func @transform_7(%arg0: i32) -> (i32, i32) {
    %c0_i32 = arith.constant 0 : i32
    %c0_i32_0 = arith.constant 0 : i32
    %c0_i32_1 = arith.constant 0 : i32
    return %c0_i32, %c0_i32_0 : i32, i32
  }
}

</mosaic_0001>

<sc_bundles>
// kernel: kernel.5.cloned.1.call-start
scs
__scs_entry_jumppad:
0x0: {  	(pc) =	sbr.rel $0x88, $3  }
0x1: {  	(tag) =	ssettag $0x0;
	lr =	simm.s32 $0x1  }
0x2: {  	[smem:$0x3F97] =	sst lr;
	_ =	strace $0xD0000000  }
0x3: {  	_ = 	snop  }
0x4: {  	_ = 	snop  }
0x5: {  	_ = 	snop  }
0x6: {  	_ = 	snop  }
0x7: {  	_ = 	snop  }
__scs_overlays_trampoline_lowered:
0x8: {  	[smem:$0x3FA6] =	sst s0  }
0x9: {  	[smem:$0x3FA7] =	sst s1  }
0xa: {  	[smem:$0x3FA8] =	sst s2  }
0xb: {  	[smem:$0x3FA9] =	sst s3  }
0xc: {  	[smem:$0x3FAA] =	sst s4  }
0xd: {  	[smem:$0x3FAB] =	sst s5  }
0xe: {  	[smem:$0x3FAC] =	sst s6  }
0xf: {  	[smem:$0x3FAD] =	sst s7  }
0x10: {  	[smem:$0x3FAE] =	sst s8  }
0x11: {  	[smem:$0x3FAF] =	sst s9;
	s0 =	simm.s32 @!p0 $0x0  }
0x12: {  	s1 =	sld [smem:$0x3F95];
	s0 =	simm.s32 @p0 $0x1  }
0x13: {  	[smem:$0x3FB0] =	sst s0;
	s0 =	simm.s32 @!p1 $0x0  }
0x14: {  	s2 =	sld [smem:$0x3F94];
	s0 =	simm.s32 @p1 $0x1  }
0x15: {  	[smem:$0x3FB1] =	sst s0;
	s0 =	simm.s32 @!p2 $0x0  }
0x16: {  	s3 =	sld [smem:$0x3FDB];
	s0 =	simm.s32 @p2 $0x1  }
0x17: {  	s4 =	simm.s32 $0x1BF5;
	[smem:$0x3FB3] =	sst s0  }
0x18: {  	s0 =	sld [smem:$0x3F96];
	_ =	swait.ge [sflag:s4], $0x0  }
0x19: {  	s7 =	sld [smem:$0x3F97]  }
0x1a: {  	s8 =	sadd.s32 $0xFFFFE003, lr  }
0x1b: {  	s9 =	sadd.s32 $0xFFFFFEF7, lr;
	s5 =	simm.s32 $0xFFFFFFFF;
	p2 =	slt.u32 s8, $0xFFFFF086  }
0x1c: {  	p1 =	slt.u32 s9, $0xF7A;
	s5 =	simm.s32 @!p2 $0x0  }
0x1d: {  	s5 =	simm.s32 @p1 $0x1;
	p0 =	seq.s32 s7, s2  }
0x1e: {  	s7 =	smul.u32 @!p0 $0xF7A, s2;
	p2 =	seq.s32 @!p0 s5, $0x0  }
0x1f: {  	s9 =	smul.u32 $0xF7A, s1;
	s8 =	simm.s32 @!p0 $0x1BF5;
	p2 =	por !p2, p0  }
0x20: {  	[sflag:s8] =	ssyncset.s32 @!p0 $0xFFFFF086;
	s6 =	sadd.s32 @!p0 s3, s7;
	s7 =	simm.s32 @!p0 $0x108  }
0x21: {  	s3 =	sadd.s32 s3, s9;
	s6 =	sadd.s32 @!p0 $0x88, s6;
	s7 =	simm.s32 @p2 $0x1082  }
0x22: {  	[simem:s7], [sflag:s8] =	dma.local @!p0 [hbm:s6], $0xF7A  }
0x23: {  	s9 =	sor.u32 $0xD0000000, s2;
	s6 =	simm.s32 $0x108;
	_ =	swait.ge @!p0 [sflag:s8], $0x0  }
0x24: {  	s3 =	sadd.s32 $0x88, s3;
	s6 =	simm.s32 @!p1 $0x1082;
	[sflag:s4] =	ssyncset.s32 $0xFFFFF086  }
0x25: {  	[simem:s6], [sflag:s4] =	dma.local [hbm:s3], $0xF7A  }
0x26: {  	[smem:$0x3F97] =	sst s1;
	(tag) =	ssettag s2;
	_ =	strace s9  }
0x27: {  	s1 =	sld [smem:$0x3FA7]  }
0x28: {  	s2 =	sld [smem:$0x3FA8]  }
0x29: {  	s4 =	sld [smem:$0x3FAA]  }
0x2a: {  	p0 =	seq.s32 s5, $0x0;
	s5 =	sld [smem:$0x3FAB]  }
0x2b: {  	s6 =	sld [smem:$0x3FAC]  }
0x2c: {  	s7 =	sld [smem:$0x3FAD]  }
0x2d: {  	s3 =	simm.s32 $0x108;
	s8 =	sld [smem:$0x3FAE]  }
0x2e: {  	s3 =	simm.s32 @!p0 $0x1082;
	s9 =	sld [smem:$0x3FAF]  }
0x2f: {  	lr =	sadd.s32 s0, s3;
	s0 =	sld [smem:$0x3FA6]  }
0x30: {  	s3 =	sld [smem:$0x3FA9]  }
0x31: {  	[smem:$0x3FB2] =	sst s10  }
0x32: {  	s10 =	sld [smem:$0x3FB0];
	_ =	sdelay $0x3  }
0x33: {  	p0 =	seq.s32 s10, $0x1;
	s10 =	sld [smem:$0x3FB2];
	_ =	sdelay $0x3  }
0x34: {  	[smem:$0x3FB2] =	sst s10  }
0x35: {  	s10 =	sld [smem:$0x3FB1];
	_ =	sdelay $0x3  }
0x36: {  	p1 =	seq.s32 s10, $0x1;
	s10 =	sld [smem:$0x3FB2];
	_ =	sdelay $0x3  }
0x37: {  	[smem:$0x3FB2] =	sst s10  }
0x38: {  	s10 =	sld [smem:$0x3FB3]  }
0x39: {  	_ = 	snop;
	(pc) =	sbr.ind lr, $3  }
0x3a: {  	_ = 	snop  }
0x3b: {  	_ = 	snop  }
0x3c: {  	p2 =	seq.s32 s10, $0x1;
	s10 =	sld [smem:$0x3FB2]  }
0x3d: {  	_ =	shalt  }
0x3e: {  	_ =	shalt  }
0x3f: {  	_ =	shalt  }
0x40: {  	_ =	shalt  }
0x41: {  	_ =	shalt  }
0x42: {  	_ =	shalt  }
0x43: {  	_ =	shalt  }
0x44: {  	_ =	shalt  }
0x45: {  	_ =	shalt  }
0x46: {  	_ =	shalt  }
0x47: {  	_ =	shalt  }
0x48: {  	_ =	shalt  }
0x49: {  	_ =	shalt  }
0x4a: {  	_ =	shalt  }
0x4b: {  	_ =	shalt  }
0x4c: {  	_ =	shalt  }
0x4d: {  	_ =	shalt  }
0x4e: {  	_ =	shalt  }
0x4f: {  	_ =	shalt  }
0x50: {  	_ =	shalt  }
0x51: {  	_ =	shalt  }
0x52: {  	_ =	shalt  }
0x53: {  	_ =	shalt  }
0x54: {  	_ =	shalt  }
0x55: {  	_ =	shalt  }
0x56: {  	_ =	shalt  }
0x57: {  	_ =	shalt  }
0x58: {  	_ =	shalt  }
0x59: {  	_ =	shalt  }
0x5a: {  	_ =	shalt  }
0x5b: {  	_ =	shalt  }
0x5c: {  	_ =	shalt  }
0x5d: {  	_ =	shalt  }
0x5e: {  	_ =	shalt  }
0x5f: {  	_ =	shalt  }
0x60: {  	_ =	shalt  }
0x61: {  	_ =	shalt  }
0x62: {  	_ =	shalt  }
0x63: {  	_ =	shalt  }
0x64: {  	_ =	shalt  }
0x65: {  	_ =	shalt  }
0x66: {  	_ =	shalt  }
0x67: {  	_ =	shalt  }
0x68: {  	_ =	shalt  }
0x69: {  	_ =	shalt  }
0x6a: {  	_ =	shalt  }
0x6b: {  	_ =	shalt  }
0x6c: {  	_ =	shalt  }
0x6d: {  	_ =	shalt  }
0x6e: {  	_ =	shalt  }
0x6f: {  	_ =	shalt  }
0x70: {  	_ =	shalt  }
0x71: {  	_ =	shalt  }
0x72: {  	_ =	shalt  }
0x73: {  	_ =	shalt  }
0x74: {  	_ =	shalt  }
0x75: {  	_ =	shalt  }
0x76: {  	_ =	shalt  }
0x77: {  	_ =	shalt  }
0x78: {  	_ =	shalt  }
0x79: {  	_ =	shalt  }
0x7a: {  	_ =	shalt  }
0x7b: {  	_ =	shalt  }
0x7c: {  	_ =	shalt  }
0x7d: {  	_ =	shalt  }
0x7e: {  	_ =	shalt  }
0x7f: {  	_ =	shalt  }
0x80: {  	_ =	shalt  }
0x81: {  	_ =	shalt  }
0x82: {  	_ =	shalt  }
0x83: {  	_ =	shalt  }
0x84: {  	_ =	shalt  }
0x85: {  	_ =	shalt  }
0x86: {  	_ =	shalt  }
0x87: {  	_ =	shalt  }
.Lfunc_end0:
.L_simem_size_0:
called_computation_lowered:
.L_overlay_start_0:
0x88: {  	s2 =	sld [smem:$0x3FD9]  }
0x89: {  	s3 =	sld [smem:$0x3FFE];
	_ =	sdelay $0x1  }
0x8a: {  	s1 =	srdreg.scid  }
0x8b: {  	s0 =	sand.u32 $0x1, s1  }
0x8c: {  	s16 =	sshll.u32 s0, $0xA;
	s2 =	sadd.s32 s3, s2  }
0x8d: {  	s2 =	sadd.s32 s2, s16  }
0x8e: {  	[smem:$0x3FBE] =	sst s2  }
0x8f: {  	_ = 	snop  }
0x90: {  	(tm) =	ssettm $0x1  }
0x91: {  	s17 =	sld [smem:$0x3FFB];
	_ =	sdelay $0x3  }
0x92: {  	_ =	strace s17  }
0x93: {  	s2 =	sld [smem:$0x3FFC];
	_ =	sdelay $0x3  }
0x94: {  	_ =	strace s2  }
0x95: {  	s2 =	sld [smem:$0x3FFD];
	_ =	sdelay $0x3  }
0x96: {  	_ =	strace s2  }
0x97: {  	_ =	strace $0x8FFFFFFF  }
0x98: {  	s18 =	sld [smem:$0x3FDB];
	_ =	sdelay $0x1  }
0x99: {  	s19 =	simm.s32 $_scs_section_size  }
0x9a: {  	s4 =	simm.s32 $_size__tile_overlayer_lowered;
	s5 =	simm.s32 $_tile_overlayer_lowered  }
0x9b: {  	s22 =	simm.s32 $0x1BFF;
	s21 =	sshll.u32 s5, $0x1;
	s2 =	sadd.s32 s19, s18  }
0x9c: {  	s6 =	simm.s32 $0x0;
	s20 =	sshll.u32 s4, $0x1;
	s4 =	sadd.s32 s21, s2  }
0x9d: {  	[timem:s6], [sflag:s22] =	dma.local [hbm:s4], s20  }
0x9e: {  	_ =	swait.ge [sflag:s22], s20  }
0x9f: {  	s3 =	ssub.s32 $0x0, s20;
	[sflag:s22] =	ssyncset.done $0x0  }
0xa0: {  	[sflag:s22] =	ssyncadd.s32 s3;
	_ =	sdelay $0x1  }
0xa1: {  	s23 =	simm.s32 $0x1B8B  }
0xa2: {  	_ =	swait.ge [sflag:s23], $0x1  }
0xa3: {  	[sflag:s23] =	ssyncset.done $0x0  }
0xa4: {  	s25 =	simm.s32 $0x1B8E;
	s24 =	sld [smem:$0x3FFE];
	[sflag:s23] =	ssyncadd.s32 $0xFFFFFFFF  }
0xa5: {  	s26 =	simm.s32 $execute0_lowered;
	[smem:$0x3FD2] =	sst s25  }
0xa6: {  	s4 =	sshll.u32 s26, $0x1;
	_ =	strace $0x80000046;
	[dreg:$0x1] =	wrdreg $0xFFFFFFFF  }
0xa7: {  	s28 =	simm.s32 $_size_execute0_lowered;
	s2 =	sadd.s32 s2, s4;
	[dreg:$0x0] =	wrdreg $0x0  }
0xa8: {  	s4 =	sshll.u32 s28, $0x1;
	[dreg:$0x2] =	wrdreg s2  }
0xa9: {  	[dreg:$0x3] =	wrdreg s4  }
0xaa: {  	[dreg:$0x4] =	wrdreg $0xC0  }
0xab: {  	_ =	task [dreg:s6], $0x5FFFF  }
0xac: {  	[dreg:$0x1] =	wrdreg $0xFFFFFFFF  }
0xad: {  	[dreg:$0x0] =	wrdreg $0x60  }
0xae: {  	[dreg:$0x2] =	wrdreg s24  }
0xaf: {  	[dreg:$0x3] =	wrdreg $0x9  }
0xb0: {  	_ =	task.clear_ibuf [dreg:s6], $0x4FFFF;
	_ =	strace $0x90000046  }
0xb1: {  	s29 =	simm.s32 $0x9;
	_ =	strace $0x80000048  }
0xb2: {  	_ =	swait.ge [sflag:s29], $0x1  }
0xb3: {  	[sflag:s29] =	ssyncadd.s32 $0xFFFFFFFF  }
0xb4: {  	_ =	strace $0x90000048  }
0xb5: {  	_ =	sfence  }
0xb6: {  	s30 =	sld [smem:$0x0];
	_ =	sdelay $0x2  }
0xb7: {  	s31 =	sshll.u32 s1, $0xD;
	s1 =	sshrl.u32 s1, $0x2  }
0xb8: {  	s3 =	sand.u32 $0x4000, s31;
	s1 =	sadd.s32 s1, s30  }
0xb9: {  	s0 =	sor.u32 s3, s0;
	s1 =	sshll.u32 s1, $0x11  }
0xba: {  	s0 =	sor.u32 s1, s0  }
0xbb: {  	s0 =	sadd.s32 $0x8F2B, s0  }
0xbc: {  	[sflag:s0] =	ssyncadd.remote.s32 $0x1  }
0xbd: {  	_ =	sfence.sel $0xFFFF  }
0xbe: {  	[dreg:$0x0] =	wrdreg $0xFFFFFFFF;
	(pc) =	sbr.abs _section_cstart, $3  }
0xbf: {  	[dreg:$0x1] =	wrdreg $0xFFFFFFFF  }
0xc0: {  	_ =	task.clear_ibuf [dreg:s6], $0x2FFFF;
	_ =	strace $0x9FFFFFFF  }
0xc1: {  	(tm) =	ssettm $0x7FFFFFFF  }
tec
execute0_lowered:
.L_overlay_start_1:
0x0: {  	(tag) =	ssettag $0x1  }
0x1: {  	s1 =	srdreg.scid  }
0x2: {  	s0 =	stileid.u32;
	s14 =	sand.u32 $0x1, s1  }
0x3: {  	s29 =	sshll.u32 s0, $0xA;
	s2 =	sshll.u32 s14, $0x9  }
0x4: {  	s15 =	rddreg [dreg:$0x0];
	s16 =	sor.u32 s2, s29  }
0x5: {  	s1 =	rddreg [dreg:$0x1];
	s2 =	simm.s32 $0x0;
	s3 =	sshrl.u32 s16, $0x3  }
0x6: {  	[smem:$0x7FF] =	sst s2;
	s3 =	sadd.s32 s3, s15  }
0x7: {  	_ =	strace $0x80000047;
	s4 =	sadd.s32 $0x9600, s3;
	s3 =	simm.s32 $0x2  }
0x8: {  	[tilespmem:s2], [sflag:$0x2] =	stream.linear.gather [hbm4b:s4+s2], $0x200, $0x38;
	[tilespmem:$0x4200] =	vst v63  }
0x9: {  	_ =	swait.ge [sflag:s3], $0x200  }
0xa: {  	s6 =	simm.s32 $0x80;
	[sflag:s3] =	ssyncset.done $0x0  }
0xb: {  	s7 =	simm.s32 $0x200;
	s5 =	sadd.s32 $0x1600, s15;
	[sflag:s3] =	ssyncadd.s32 $0xFFFFFE00  }
0xc: {  	[tilespmem:s7], [sflag:$0x1] =	stream.indirect.gather [hbm4b:s5+s6], $0x20, s2, s6, $0xb8;
	[tilespmem:$0x4200] =	vst v63  }
0xd: {  	s8 =	simm.s32 $0x1200  }
0xe: {  	[tilespmem:s8], [sflag:$0x1] =	stream.indirect.gather [hbm4b:s5+s6], $0x20, s6, s6, $0xb8;
	[tilespmem:$0x4200] =	vst v63  }
0xf: {  	s9 =	simm.s32 $0x100;
	s10 =	simm.s32 $0x2200  }
0x10: {  	[tilespmem:s10], [sflag:$0x1] =	stream.indirect.gather [hbm4b:s5+s6], $0x20, s9, s6, $0xb8;
	[tilespmem:$0x4200] =	vst v63  }
0x11: {  	s11 =	simm.s32 $0x180;
	s12 =	simm.s32 $0x3200;
	s13 =	simm.s32 $0x1  }
0x12: {  	[tilespmem:s12], [sflag:$0x1] =	stream.indirect.gather [hbm4b:s5+s6], $0x20, s11, s6, $0xb8;
	[tilespmem:$0x4200] =	vst v63  }
0x13: {  	_ =	swait.ge [sflag:s13], $0x1000  }
0x14: {  	[sflag:s13] =	ssyncset.done $0x0  }
0x15: {  	[sflag:s13] =	ssyncadd.s32 $0xFFFFF000  }
0x16: {  	_ =	swait.ge [sflag:s13], $0x1000  }
0x17: {  	[sflag:s13] =	ssyncset.done $0x0  }
0x18: {  	s14 =	ssub.s32 $0x2, s14;
	[sflag:s13] =	ssyncadd.s32 $0xFFFFF000  }
0x19: {  	s17 =	sshrl.u32 s14, $0x1;
	_ =	swait.ge [sflag:s13], $0x1000  }
0x1a: {  	s30 =	ssub.s32 s14, s17;
	[sflag:s13] =	ssyncset.done $0x0  }
0x1b: {  	s31 =	smax.u32 s30, $0x1;
	[sflag:s13] =	ssyncadd.s32 $0xFFFFF000  }
0x1c: {  	s16 =	sshll.u32 s16, $0x2;
	p0 =	sne.s32 s31, $0x1;
	_ =	swait.ge [sflag:s13], $0x1000  }
.Ltmp0:
0x1d: {  	s15 =	sadd.s32 s16, s15;
	[sflag:s13] =	ssyncset.done $0x0;
	(pc) =	sbr.rel @!p0 .LBB2_2-.Ltmp0, $4  }
0x1e: {  	s14 =	sadd.s32 $0x9E00, s15;
	[sflag:s13] =	ssyncadd.s32 $0xFFFFF000  }
0x1f: {  	[hbm4b:s14+s2] =	stream.linear.scatter [tilespmem:s7], [sflag:$0x2], $0x4000, $0x38;
	[tilespmem:$0x4200] =	vst v63  }
0x20: {  	_ =	swait.ge [sflag:s3], $0x4000  }
0x21: {  	s15 =	sadd.s32 $0xFFFFFFFF, s31;
	[sflag:s3] =	ssyncset.done $0x0  }
.LBB2_1:
0x22: {  	p0 =	sne.s32 s15, $0x1;
	s15 =	sadd.s32 $0xFFFFFFFF, s15;
	[sflag:s3] =	ssyncadd.s32 $0xFFFFC000  }
0x23: {  	[tilespmem:s2], [sflag:$0x2] =	stream.linear.gather [hbm4b:s4+s2], $0x200, $0x38;
	[tilespmem:$0x4200] =	vst v63  }
0x24: {  	_ =	swait.ge [sflag:s3], $0x200  }
0x25: {  	[sflag:s3] =	ssyncset.done $0x0  }
0x26: {  	[sflag:s3] =	ssyncadd.s32 $0xFFFFFE00  }
0x27: {  	[tilespmem:s7], [sflag:$0x1] =	stream.indirect.gather [hbm4b:s5+s6], $0x20, s2, s6, $0xb8;
	[tilespmem:$0x4200] =	vst v63  }
0x28: {  	_ = 	snop  }
0x29: {  	[tilespmem:s8], [sflag:$0x1] =	stream.indirect.gather [hbm4b:s5+s6], $0x20, s6, s6, $0xb8;
	[tilespmem:$0x4200] =	vst v63  }
0x2a: {  	_ = 	snop  }
0x2b: {  	[tilespmem:s10], [sflag:$0x1] =	stream.indirect.gather [hbm4b:s5+s6], $0x20, s9, s6, $0xb8;
	[tilespmem:$0x4200] =	vst v63  }
0x2c: {  	_ = 	snop  }
0x2d: {  	[tilespmem:s12], [sflag:$0x1] =	stream.indirect.gather [hbm4b:s5+s6], $0x20, s11, s6, $0xb8;
	[tilespmem:$0x4200] =	vst v63  }
0x2e: {  	_ =	swait.ge [sflag:s13], $0x1000  }
0x2f: {  	[sflag:s13] =	ssyncset.done $0x0  }
0x30: {  	[sflag:s13] =	ssyncadd.s32 $0xFFFFF000  }
0x31: {  	_ =	swait.ge [sflag:s13], $0x1000  }
0x32: {  	[sflag:s13] =	ssyncset.done $0x0  }
0x33: {  	[sflag:s13] =	ssyncadd.s32 $0xFFFFF000  }
0x34: {  	_ =	swait.ge [sflag:s13], $0x1000  }
0x35: {  	[sflag:s13] =	ssyncset.done $0x0  }
0x36: {  	[sflag:s13] =	ssyncadd.s32 $0xFFFFF000  }
0x37: {  	_ =	swait.ge [sflag:s13], $0x1000  }
.Ltmp1:
0x38: {  	[sflag:s13] =	ssyncset.done $0x0;
	(pc) =	sbr.rel @p0 .LBB2_1-.Ltmp1, $4  }
0x39: {  	[sflag:s13] =	ssyncadd.s32 $0xFFFFF000  }
0x3a: {  	[hbm4b:s14+s2] =	stream.linear.scatter [tilespmem:s7], [sflag:$0x2], $0x4000, $0x38;
	[tilespmem:$0x4200] =	vst v63  }
0x3b: {  	_ =	swait.ge [sflag:s3], $0x4000  }
0x3c: {  	[sflag:s3] =	ssyncset.done $0x0  }
.LBB2_2:
0x3d: {  	[sflag:s3] =	ssyncadd.s32 $0xFFFFC000  }
0x3e: {  	_ =	sfence.sel $0x180000  }
0x3f: {  	[bflag:$0x0] =	sbarrier.arrive $0xFFFF  }
0x40: {  	p0 =	sne.s32 s0, $0x0;
	_ =	strace $0x90000047  }
0x41: {  	s0 =	sadd.s32 @!p0 $0x100000, s1;
	[bflag:$0x2] =	sbarrier.arrive $0xFFFF  }
0x42: {  	[sflag:s0] =	ssyncadd.tile.s32 @!p0 $0x1;
	_ =	shalt  }
.Lfunc_end2:
_tile_overlayer_lowered:
.L_overlay_start_2:
0x43: {  	(tag) =	ssettag $0x2  }
0x44: {  	s0 =	rddreg [dreg:$0x0];
	s2 =	stileid.u32  }
0x45: {  	s1 =	rddreg [dreg:$0x1];
	p0 =	sne.s32 s2, $0x0  }
0x46: {  	s3 =	rddreg [dreg:$0x2];
	[bflag:$0x3] =	sbarrier.arrive $0xFFFF;
	s2 =	simm.s32 @!p0 $0x1C02  }
0x47: {  	[timem:s3], [sflag:s2] =	dma.local @!p0 [hbm:s0], s1  }
0x48: {  	s0 =	simm.s32 @!p0 $0x2  }
0x49: {  	_ =	swait.ge @!p0 [sflag:s0], s1  }
0x4a: {  	s1 =	ssub.s32 @!p0 $0x0, s1;
	[sflag:s0] =	ssyncset.done @!p0 $0x0  }
0x4b: {  	[sflag:s0] =	ssyncadd.s32 @!p0 s1  }
0x4c: {  	[bflag:$0x3] =	sbarrier.arrive $0xFFFF  }
0x4d: {  	_ =	shalt  }

</sc_bundles>
